<compile_context>
chip_gen: v7x
topology: tpu7x:2x2x1
jax: 0.10.2.dev20260603
libtpu: 0.0.44.dev20260713+nightly
codegen_flags: <defaults>
</compile_context>

<pallas_src>
import functools

import jax
import jax.numpy as jnp
from jax import lax
from jax.experimental import pallas as pl
from jax.experimental.pallas import tpu as pltpu
from jax.experimental.pallas import tpu_sc as plsc

_B = 16
_N = 32768
_NC = 2
_NS = 16
_L = 16
_NW = _NC * _NS
_C = _N // _NW
_V = _C // _L

_mesh = plsc.VectorSubcoreMesh(core_axis_name="c", subcore_axis_name="s")


@functools.partial(
    pl.kernel,
    mesh=_mesh,
    out_type=jax.ShapeDtypeStruct((_NW * _B,), jnp.float32),
    scratch_types=[
        pltpu.VMEM((_C,), jnp.float32),
        pltpu.VMEM((_C,), jnp.float32),
        pltpu.VMEM((_C,), jnp.int32),
        pltpu.VMEM((_B,), jnp.float32),
        pltpu.SemaphoreType.DMA,
    ],
)
def _segsum_sc(scores_hbm, gating_hbm, ids_hbm, out_hbm,
               s_v, g_v, i_v, part_v, sem):
    cid = lax.axis_index("c")
    sid = lax.axis_index("s")
    wid = sid * _NC + cid
    base = wid * _C

    c1 = pltpu.async_copy(scores_hbm.at[pl.ds(base, _C)], s_v, sem)
    c2 = pltpu.async_copy(gating_hbm.at[pl.ds(base, _C)], g_v, sem)
    c3 = pltpu.async_copy(ids_hbm.at[pl.ds(base, _C)], i_v, sem)
    c1.wait()
    c2.wait()
    c3.wait()

    first = i_v[pl.ds(0, _L)][0]
    last = i_v[pl.ds(_C - _L, _L)][_L - 1]
    lanes = lax.iota(jnp.int32, _L)

    def lane_sum(acc):
        half = [acc[2 * l] + acc[2 * l + 1] for l in range(_L // 2)]
        while len(half) > 1:
            half = [half[2 * l] + half[2 * l + 1]
                    for l in range(len(half) // 2)]
        return half[0]

    def seg_body(b, part):
        def abody(j, accs):
            new = []
            for k in range(4):
                sl = pl.ds((4 * j + k) * _L, _L)
                new.append(accs[k]
                           + jnp.where(i_v[sl] == b, s_v[sl] * g_v[sl], 0.0))
            return tuple(new)

        z = jnp.zeros((_L,), jnp.float32)
        a0, a1, a2, a3 = lax.fori_loop(0, _V // 4, abody, (z, z, z, z))
        return jnp.where(lanes == b, lane_sum((a0 + a1) + (a2 + a3)), part)

    part_v[...] = lax.fori_loop(first, last + 1, seg_body,
                                jnp.zeros((_L,), jnp.float32))

    pltpu.sync_copy(part_v, out_hbm.at[pl.ds(wid * _B, _B)])


def kernel(scores, gating, segment_ids):
    partials = _segsum_sc(scores, gating, segment_ids.astype(jnp.int32))
    return jnp.sum(partials.reshape(_NW, _B), axis=0)

# --- scband reference (transcript-rebuilt; emitter-appended) ---
"""Pipeline reference for scband-score-aggregation-17239998726691 (READ-ONLY COPY).

The authoritative reference and input builder live on the scoring server;
editing this copy changes nothing except your own understanding.
"""

import jax, jax.numpy as jnp
import numpy as np

B = 16
N = 32768

def setup_inputs(seed: int = 0) -> dict:
    key = jax.random.key(seed)
    k1, k2, k3 = jax.random.split(key, 3)
    scores = jax.random.normal(k1, (N,), dtype=jnp.float32)
    gating = jax.random.normal(k2, (N,), dtype=jnp.float32)
    segment_ids = jnp.sort(jax.random.randint(k3, (N,), 0, B))
    return {"scores": scores, "gating": gating, "segment_ids": segment_ids}

def reference(scores, gating, segment_ids):
    # Faithful translation of Score_Aggregation.call on ragged tensors,
    # expressed in flat-values + segment_ids form:
    #   score = flatten(Z flat values)  (already flat here)
    #   s_g_sum = gating * score        (elementwise on flat values)
    #   rel = reduce_sum over ragged axis 1 -> per-segment sum
    s_g_sum = jnp.multiply(gating, scores)
    rel = jax.ops.segment_sum(s_g_sum, segment_ids, num_segments=B)
    return rel

if __name__ == "__main__":
    import jax
    _d = setup_inputs()
    print(jax.jit(kernel)(*tuple(_d.values())))

</pallas_src>

<mosaic_0001>
#map = affine_map<(d0, d1) -> (0)>
module attributes {stable_mosaic.version = 14 : i64} {
  func.func @_segsum_sc(%arg0: i32, %arg1: i32, %arg2: memref<32768xf32, #tpu.memory_space<hbm>>, %arg3: memref<32768xf32, #tpu.memory_space<hbm>>, %arg4: memref<32768xi32, #tpu.memory_space<hbm>>, %arg5: memref<512xf32, #tpu.memory_space<hbm>>, %arg6: memref<1024xf32, #tpu.memory_space<vmem>>, %arg7: memref<1024xf32, #tpu.memory_space<vmem>>, %arg8: memref<1024xi32, #tpu.memory_space<vmem>>, %arg9: memref<16xf32, #tpu.memory_space<vmem>>, %arg10: memref<!tpu.dma_semaphore, #tpu.memory_space<semaphore_mem>>) attributes {dimension_semantics = [#tpu.dimension_semantics<core_parallel>, #tpu.dimension_semantics<subcore_parallel>], iteration_bounds = array<i64: 2, 16>, scalar_prefetch = 0 : i64, scratch_operands = 5 : i64, tpu.core_type = #tpu.core_type<sc_vector_subcore>, window_params = [{transform_indices = #map}, {transform_indices = #map}, {transform_indices = #map}, {transform_indices = #map}]} {
    %mul3A = arith.constant 2 : i32
    %mul3A_0 = arith.muli %arg1, %mul3A : i32
    %add3A = arith.addi %mul3A_0, %arg0 : i32
    %mul3A_1 = arith.constant 1024 : i32
    %mul3A_2 = arith.muli %add3A, %mul3A_1 : i32
    %dma_start3A = tpu.memref_slice %arg2[%mul3A_2] : memref<32768xf32, #tpu.memory_space<hbm>> -> memref<1024xf32, #tpu.memory_space<hbm>>
    %dma_start3A_3 = tpu.memref_slice %arg2[%mul3A_2] : memref<32768xf32, #tpu.memory_space<hbm>> -> memref<1024xf32, #tpu.memory_space<hbm>>
    tpu.enqueue_dma source(%dma_start3A_3 : memref<1024xf32, #tpu.memory_space<hbm>>) target(%arg6 : memref<1024xf32, #tpu.memory_space<vmem>>) target_semaphore(%arg10 : memref<!tpu.dma_semaphore, #tpu.memory_space<semaphore_mem>>)
    %dma_start3A_4 = tpu.memref_slice %arg3[%mul3A_2] : memref<32768xf32, #tpu.memory_space<hbm>> -> memref<1024xf32, #tpu.memory_space<hbm>>
    %dma_start3A_5 = tpu.memref_slice %arg3[%mul3A_2] : memref<32768xf32, #tpu.memory_space<hbm>> -> memref<1024xf32, #tpu.memory_space<hbm>>
    tpu.enqueue_dma source(%dma_start3A_5 : memref<1024xf32, #tpu.memory_space<hbm>>) target(%arg7 : memref<1024xf32, #tpu.memory_space<vmem>>) target_semaphore(%arg10 : memref<!tpu.dma_semaphore, #tpu.memory_space<semaphore_mem>>)
    %dma_start3A_6 = tpu.memref_slice %arg4[%mul3A_2] : memref<32768xi32, #tpu.memory_space<hbm>> -> memref<1024xi32, #tpu.memory_space<hbm>>
    %dma_start3A_7 = tpu.memref_slice %arg4[%mul3A_2] : memref<32768xi32, #tpu.memory_space<hbm>> -> memref<1024xi32, #tpu.memory_space<hbm>>
    tpu.enqueue_dma source(%dma_start3A_7 : memref<1024xi32, #tpu.memory_space<hbm>>) target(%arg8 : memref<1024xi32, #tpu.memory_space<vmem>>) target_semaphore(%arg10 : memref<!tpu.dma_semaphore, #tpu.memory_space<semaphore_mem>>)
    %dma_wait3A = tpu.memref_slice %arg2[%mul3A_2] : memref<32768xf32, #tpu.memory_space<hbm>> -> memref<1024xf32, #tpu.memory_space<hbm>>
    %dma_wait3A_8 = tpu.memref_slice %arg2[%mul3A_2] : memref<32768xf32, #tpu.memory_space<hbm>> -> memref<1024xf32, #tpu.memory_space<hbm>>
    tpu.wait_dma2 semaphore(%arg10 : memref<!tpu.dma_semaphore, #tpu.memory_space<semaphore_mem>>) src(%dma_wait3A_8 : memref<1024xf32, #tpu.memory_space<hbm>>) dst(%arg6 : memref<1024xf32, #tpu.memory_space<vmem>>)
    %dma_wait3A_9 = tpu.memref_slice %arg3[%mul3A_2] : memref<32768xf32, #tpu.memory_space<hbm>> -> memref<1024xf32, #tpu.memory_space<hbm>>
    %dma_wait3A_10 = tpu.memref_slice %arg3[%mul3A_2] : memref<32768xf32, #tpu.memory_space<hbm>> -> memref<1024xf32, #tpu.memory_space<hbm>>
    tpu.wait_dma2 semaphore(%arg10 : memref<!tpu.dma_semaphore, #tpu.memory_space<semaphore_mem>>) src(%dma_wait3A_10 : memref<1024xf32, #tpu.memory_space<hbm>>) dst(%arg7 : memref<1024xf32, #tpu.memory_space<vmem>>)
    %dma_wait3A_11 = tpu.memref_slice %arg4[%mul3A_2] : memref<32768xi32, #tpu.memory_space<hbm>> -> memref<1024xi32, #tpu.memory_space<hbm>>
    %dma_wait3A_12 = tpu.memref_slice %arg4[%mul3A_2] : memref<32768xi32, #tpu.memory_space<hbm>> -> memref<1024xi32, #tpu.memory_space<hbm>>
    tpu.wait_dma2 semaphore(%arg10 : memref<!tpu.dma_semaphore, #tpu.memory_space<semaphore_mem>>) src(%dma_wait3A_12 : memref<1024xi32, #tpu.memory_space<hbm>>) dst(%arg8 : memref<1024xi32, #tpu.memory_space<vmem>>)
    %get3A = arith.constant 0 : index
    %get3A_13 = tpu.vector_load %arg8[%get3A] {strides = array<i32>} : memref<1024xi32, #tpu.memory_space<vmem>>, vector<16xi32>,
    %get3A_14 = vector.shape_cast %get3A_13 : vector<16xi32> to vector<16xi32>
    %slice3A = vector.extract_strided_slice %get3A_14 {offsets = [0], sizes = [1], strides = [1]} : vector<16xi32> to vector<1xi32>
    %squeeze3A = vector.extract %slice3A[0] : i32 from vector<1xi32>
    %get3A_15 = arith.constant 1008 : index
    %get3A_16 = tpu.vector_load %arg8[%get3A_15] {strides = array<i32>} : memref<1024xi32, #tpu.memory_space<vmem>>, vector<16xi32>,
    %get3A_17 = vector.shape_cast %get3A_16 : vector<16xi32> to vector<16xi32>
    %slice3A_18 = vector.extract_strided_slice %get3A_17 {offsets = [15], sizes = [1], strides = [1]} : vector<16xi32> to vector<1xi32>
    %squeeze3A_19 = vector.extract %slice3A_18[0] : i32 from vector<1xi32>
    %iota3A = tpu.iota {dimensions = array<i32: 0>} : vector<16xi32>
    %add3A_20 = arith.constant 1 : i32
    %add3A_21 = arith.addi %squeeze3A_19, %add3A_20 : i32
    %broadcast_in_dim3A = arith.constant 0.000000e+00 : f32
    %broadcast_in_dim3A_22 = vector.broadcast %broadcast_in_dim3A : f32 to vector<16xf32>
    %while3A = arith.subi %add3A_21, %squeeze3A : i32
    %while3A_23 = arith.addi %squeeze3A, %while3A : i32
    %while3A_24 = arith.constant 1 : i32
    %while3A_25 = arith.divsi %while3A, %while3A_24 : i32
    %while3A_26 = arith.muli %while3A_25, %while3A_24 : i32
    %while3A_27 = arith.addi %squeeze3A, %while3A_26 : i32
    %while3A_28 = arith.constant 1 : i32
    %while3A_29 = scf.for %while3A_37 = %squeeze3A to %while3A_27 step %while3A_28 iter_args(%while3A_38 = %broadcast_in_dim3A_22) -> (vector<16xf32>)  : i32 {
      %broadcast_in_dim3A_39 = arith.constant 0.000000e+00 : f32
      %broadcast_in_dim3A_40 = vector.broadcast %broadcast_in_dim3A_39 : f32 to vector<16xf32>
      %scan3A = arith.constant 0 : i32
      %scan3A_41 = arith.constant 16 : i32
      %scan3A_42 = arith.addi %scan3A, %scan3A_41 : i32
      %scan3A_43 = arith.constant 1 : i32
      %scan3A_44:4 = scf.for %scan3A_98 = %scan3A to %scan3A_42 step %scan3A_43 iter_args(%scan3A_99 = %broadcast_in_dim3A_40, %scan3A_100 = %broadcast_in_dim3A_40, %scan3A_101 = %broadcast_in_dim3A_40, %scan3A_102 = %broadcast_in_dim3A_40) -> (vector<16xf32>, vector<16xf32>, vector<16xf32>, vector<16xf32>)  : i32 {
        %mul3A_103 = arith.constant 4 : i32
        %mul3A_104 = arith.muli %mul3A_103, %scan3A_98 : i32
        %add3A_105 = arith.constant 0 : i32
        %add3A_106 = arith.addi %mul3A_104, %add3A_105 : i32
        %mul3A_107 = arith.constant 16 : i32
        %mul3A_108 = arith.muli %add3A_106, %mul3A_107 : i32
        %get3A_109 = arith.index_cast %mul3A_108 : i32 to index
        %get3A_110 = tpu.vector_load %arg8[%get3A_109] {strides = array<i32>} : memref<1024xi32, #tpu.memory_space<vmem>>, vector<16xi32>,
        %get3A_111 = vector.shape_cast %get3A_110 : vector<16xi32> to vector<16xi32>
        %eq3A_112 = vector.broadcast %while3A_37 : i32 to vector<16xi32>
        %eq3A_113 = arith.cmpi eq, %get3A_111, %eq3A_112 : vector<16xi32>
        %get3A_114 = arith.index_cast %mul3A_108 : i32 to index
        %get3A_115 = tpu.vector_load %arg6[%get3A_114] {strides = array<i32>} : memref<1024xf32, #tpu.memory_space<vmem>>, vector<16xf32>,
        %get3A_116 = vector.shape_cast %get3A_115 : vector<16xf32> to vector<16xf32>
        %get3A_117 = arith.index_cast %mul3A_108 : i32 to index
        %get3A_118 = tpu.vector_load %arg7[%get3A_117] {strides = array<i32>} : memref<1024xf32, #tpu.memory_space<vmem>>, vector<16xf32>,
        %get3A_119 = vector.shape_cast %get3A_118 : vector<16xf32> to vector<16xf32>
        %mul3A_120 = arith.mulf %get3A_116, %get3A_119 : vector<16xf32>
        %jit3A = arith.constant 0.000000e+00 : f32
        %broadcast_in_dim3A_121 = vector.broadcast %jit3A : f32 to vector<16xf32>
        %select_n3A_122 = arith.select %eq3A_113, %mul3A_120, %broadcast_in_dim3A_121 : vector<16xi1>, vector<16xf32>
        %add3A_123 = arith.addf %scan3A_99, %select_n3A_122 : vector<16xf32>
        %mul3A_124 = arith.constant 4 : i32
        %mul3A_125 = arith.muli %mul3A_124, %scan3A_98 : i32
        %add3A_126 = arith.constant 1 : i32
        %add3A_127 = arith.addi %mul3A_125, %add3A_126 : i32
        %mul3A_128 = arith.constant 16 : i32
        %mul3A_129 = arith.muli %add3A_127, %mul3A_128 : i32
        %get3A_130 = arith.index_cast %mul3A_129 : i32 to index
        %get3A_131 = tpu.vector_load %arg8[%get3A_130] {strides = array<i32>} : memref<1024xi32, #tpu.memory_space<vmem>>, vector<16xi32>,
        %get3A_132 = vector.shape_cast %get3A_131 : vector<16xi32> to vector<16xi32>
        %eq3A_133 = vector.broadcast %while3A_37 : i32 to vector<16xi32>
        %eq3A_134 = arith.cmpi eq, %get3A_132, %eq3A_133 : vector<16xi32>
        %get3A_135 = arith.index_cast %mul3A_129 : i32 to index
        %get3A_136 = tpu.vector_load %arg6[%get3A_135] {strides = array<i32>} : memref<1024xf32, #tpu.memory_space<vmem>>, vector<16xf32>,
        %get3A_137 = vector.shape_cast %get3A_136 : vector<16xf32> to vector<16xf32>
        %get3A_138 = arith.index_cast %mul3A_129 : i32 to index
        %get3A_139 = tpu.vector_load %arg7[%get3A_138] {strides = array<i32>} : memref<1024xf32, #tpu.memory_space<vmem>>, vector<16xf32>,
        %get3A_140 = vector.shape_cast %get3A_139 : vector<16xf32> to vector<16xf32>
        %mul3A_141 = arith.mulf %get3A_137, %get3A_140 : vector<16xf32>
        %jit3A_142 = arith.constant 0.000000e+00 : f32
        %broadcast_in_dim3A_143 = vector.broadcast %jit3A_142 : f32 to vector<16xf32>
        %select_n3A_144 = arith.select %eq3A_134, %mul3A_141, %broadcast_in_dim3A_143 : vector<16xi1>, vector<16xf32>
        %add3A_145 = arith.addf %scan3A_100, %select_n3A_144 : vector<16xf32>
        %mul3A_146 = arith.constant 4 : i32
        %mul3A_147 = arith.muli %mul3A_146, %scan3A_98 : i32
        %add3A_148 = arith.constant 2 : i32
        %add3A_149 = arith.addi %mul3A_147, %add3A_148 : i32
        %mul3A_150 = arith.constant 16 : i32
        %mul3A_151 = arith.muli %add3A_149, %mul3A_150 : i32
        %get3A_152 = arith.index_cast %mul3A_151 : i32 to index
        %get3A_153 = tpu.vector_load %arg8[%get3A_152] {strides = array<i32>} : memref<1024xi32, #tpu.memory_space<vmem>>, vector<16xi32>,
        %get3A_154 = vector.shape_cast %get3A_153 : vector<16xi32> to vector<16xi32>
        %eq3A_155 = vector.broadcast %while3A_37 : i32 to vector<16xi32>
        %eq3A_156 = arith.cmpi eq, %get3A_154, %eq3A_155 : vector<16xi32>
        %get3A_157 = arith.index_cast %mul3A_151 : i32 to index
        %get3A_158 = tpu.vector_load %arg6[%get3A_157] {strides = array<i32>} : memref<1024xf32, #tpu.memory_space<vmem>>, vector<16xf32>,
        %get3A_159 = vector.shape_cast %get3A_158 : vector<16xf32> to vector<16xf32>
        %get3A_160 = arith.index_cast %mul3A_151 : i32 to index
        %get3A_161 = tpu.vector_load %arg7[%get3A_160] {strides = array<i32>} : memref<1024xf32, #tpu.memory_space<vmem>>, vector<16xf32>,
        %get3A_162 = vector.shape_cast %get3A_161 : vector<16xf32> to vector<16xf32>
        %mul3A_163 = arith.mulf %get3A_159, %get3A_162 : vector<16xf32>
        %jit3A_164 = arith.constant 0.000000e+00 : f32
        %broadcast_in_dim3A_165 = vector.broadcast %jit3A_164 : f32 to vector<16xf32>
        %select_n3A_166 = arith.select %eq3A_156, %mul3A_163, %broadcast_in_dim3A_165 : vector<16xi1>, vector<16xf32>
        %add3A_167 = arith.addf %scan3A_101, %select_n3A_166 : vector<16xf32>
        %mul3A_168 = arith.constant 4 : i32
        %mul3A_169 = arith.muli %mul3A_168, %scan3A_98 : i32
        %add3A_170 = arith.constant 3 : i32
        %add3A_171 = arith.addi %mul3A_169, %add3A_170 : i32
        %mul3A_172 = arith.constant 16 : i32
        %mul3A_173 = arith.muli %add3A_171, %mul3A_172 : i32
        %get3A_174 = arith.index_cast %mul3A_173 : i32 to index
        %get3A_175 = tpu.vector_load %arg8[%get3A_174] {strides = array<i32>} : memref<1024xi32, #tpu.memory_space<vmem>>, vector<16xi32>,
        %get3A_176 = vector.shape_cast %get3A_175 : vector<16xi32> to vector<16xi32>
        %eq3A_177 = vector.broadcast %while3A_37 : i32 to vector<16xi32>
        %eq3A_178 = arith.cmpi eq, %get3A_176, %eq3A_177 : vector<16xi32>
        %get3A_179 = arith.index_cast %mul3A_173 : i32 to index
        %get3A_180 = tpu.vector_load %arg6[%get3A_179] {strides = array<i32>} : memref<1024xf32, #tpu.memory_space<vmem>>, vector<16xf32>,
        %get3A_181 = vector.shape_cast %get3A_180 : vector<16xf32> to vector<16xf32>
        %get3A_182 = arith.index_cast %mul3A_173 : i32 to index
        %get3A_183 = tpu.vector_load %arg7[%get3A_182] {strides = array<i32>} : memref<1024xf32, #tpu.memory_space<vmem>>, vector<16xf32>,
        %get3A_184 = vector.shape_cast %get3A_183 : vector<16xf32> to vector<16xf32>
        %mul3A_185 = arith.mulf %get3A_181, %get3A_184 : vector<16xf32>
        %jit3A_186 = arith.constant 0.000000e+00 : f32
        %broadcast_in_dim3A_187 = vector.broadcast %jit3A_186 : f32 to vector<16xf32>
        %select_n3A_188 = arith.select %eq3A_178, %mul3A_185, %broadcast_in_dim3A_187 : vector<16xi1>, vector<16xf32>
        %add3A_189 = arith.addf %scan3A_102, %select_n3A_188 : vector<16xf32>
        scf.yield %add3A_123, %add3A_145, %add3A_167, %add3A_189 : vector<16xf32>, vector<16xf32>, vector<16xf32>, vector<16xf32>
      }
      %scan3A_45 = arith.constant 16 : i32
      %eq3A = vector.broadcast %while3A_37 : i32 to vector<16xi32>
      %eq3A_46 = arith.cmpi eq, %iota3A, %eq3A : vector<16xi32>
      %add3A_47 = arith.addf %scan3A_44#0, %scan3A_44#1 : vector<16xf32>
      %add3A_48 = arith.addf %scan3A_44#2, %scan3A_44#3 : vector<16xf32>
      %add3A_49 = arith.addf %add3A_47, %add3A_48 : vector<16xf32>
      %slice3A_50 = vector.extract_strided_slice %add3A_49 {offsets = [0], sizes = [1], strides = [1]} : vector<16xf32> to vector<1xf32>
      %squeeze3A_51 = vector.extract %slice3A_50[0] : f32 from vector<1xf32>
      %slice3A_52 = vector.extract_strided_slice %add3A_49 {offsets = [1], sizes = [1], strides = [1]} : vector<16xf32> to vector<1xf32>
      %squeeze3A_53 = vector.extract %slice3A_52[0] : f32 from vector<1xf32>
      %add3A_54 = arith.addf %squeeze3A_51, %squeeze3A_53 : f32
      %slice3A_55 = vector.extract_strided_slice %add3A_49 {offsets = [2], sizes = [1], strides = [1]} : vector<16xf32> to vector<1xf32>
      %squeeze3A_56 = vector.extract %slice3A_55[0] : f32 from vector<1xf32>
      %slice3A_57 = vector.extract_strided_slice %add3A_49 {offsets = [3], sizes = [1], strides = [1]} : vector<16xf32> to vector<1xf32>
      %squeeze3A_58 = vector.extract %slice3A_57[0] : f32 from vector<1xf32>
      %add3A_59 = arith.addf %squeeze3A_56, %squeeze3A_58 : f32
      %slice3A_60 = vector.extract_strided_slice %add3A_49 {offsets = [4], sizes = [1], strides = [1]} : vector<16xf32> to vector<1xf32>
      %squeeze3A_61 = vector.extract %slice3A_60[0] : f32 from vector<1xf32>
      %slice3A_62 = vector.extract_strided_slice %add3A_49 {offsets = [5], sizes = [1], strides = [1]} : vector<16xf32> to vector<1xf32>
      %squeeze3A_63 = vector.extract %slice3A_62[0] : f32 from vector<1xf32>
      %add3A_64 = arith.addf %squeeze3A_61, %squeeze3A_63 : f32
      %slice3A_65 = vector.extract_strided_slice %add3A_49 {offsets = [6], sizes = [1], strides = [1]} : vector<16xf32> to vector<1xf32>
      %squeeze3A_66 = vector.extract %slice3A_65[0] : f32 from vector<1xf32>
      %slice3A_67 = vector.extract_strided_slice %add3A_49 {offsets = [7], sizes = [1], strides = [1]} : vector<16xf32> to vector<1xf32>
      %squeeze3A_68 = vector.extract %slice3A_67[0] : f32 from vector<1xf32>
      %add3A_69 = arith.addf %squeeze3A_66, %squeeze3A_68 : f32
      %slice3A_70 = vector.extract_strided_slice %add3A_49 {offsets = [8], sizes = [1], strides = [1]} : vector<16xf32> to vector<1xf32>
      %squeeze3A_71 = vector.extract %slice3A_70[0] : f32 from vector<1xf32>
      %slice3A_72 = vector.extract_strided_slice %add3A_49 {offsets = [9], sizes = [1], strides = [1]} : vector<16xf32> to vector<1xf32>
      %squeeze3A_73 = vector.extract %slice3A_72[0] : f32 from vector<1xf32>
      %add3A_74 = arith.addf %squeeze3A_71, %squeeze3A_73 : f32
      %slice3A_75 = vector.extract_strided_slice %add3A_49 {offsets = [10], sizes = [1], strides = [1]} : vector<16xf32> to vector<1xf32>
      %squeeze3A_76 = vector.extract %slice3A_75[0] : f32 from vector<1xf32>
      %slice3A_77 = vector.extract_strided_slice %add3A_49 {offsets = [11], sizes = [1], strides = [1]} : vector<16xf32> to vector<1xf32>
      %squeeze3A_78 = vector.extract %slice3A_77[0] : f32 from vector<1xf32>
      %add3A_79 = arith.addf %squeeze3A_76, %squeeze3A_78 : f32
      %slice3A_80 = vector.extract_strided_slice %add3A_49 {offsets = [12], sizes = [1], strides = [1]} : vector<16xf32> to vector<1xf32>
      %squeeze3A_81 = vector.extract %slice3A_80[0] : f32 from vector<1xf32>
      %slice3A_82 = vector.extract_strided_slice %add3A_49 {offsets = [13], sizes = [1], strides = [1]} : vector<16xf32> to vector<1xf32>
      %squeeze3A_83 = vector.extract %slice3A_82[0] : f32 from vector<1xf32>
      %add3A_84 = arith.addf %squeeze3A_81, %squeeze3A_83 : f32
      %slice3A_85 = vector.extract_strided_slice %add3A_49 {offsets = [14], sizes = [1], strides = [1]} : vector<16xf32> to vector<1xf32>
      %squeeze3A_86 = vector.extract %slice3A_85[0] : f32 from vector<1xf32>
      %slice3A_87 = vector.extract_strided_slice %add3A_49 {offsets = [15], sizes = [1], strides = [1]} : vector<16xf32> to vector<1xf32>
      %squeeze3A_88 = vector.extract %slice3A_87[0] : f32 from vector<1xf32>
      %add3A_89 = arith.addf %squeeze3A_86, %squeeze3A_88 : f32
      %add3A_90 = arith.addf %add3A_54, %add3A_59 : f32
      %add3A_91 = arith.addf %add3A_64, %add3A_69 : f32
      %add3A_92 = arith.addf %add3A_74, %add3A_79 : f32
      %add3A_93 = arith.addf %add3A_84, %add3A_89 : f32
      %add3A_94 = arith.addf %add3A_90, %add3A_91 : f32
      %add3A_95 = arith.addf %add3A_92, %add3A_93 : f32
      %add3A_96 = arith.addf %add3A_94, %add3A_95 : f32
      %broadcast_in_dim3A_97 = vector.broadcast %add3A_96 : f32 to vector<16xf32>
      %select_n3A = arith.select %eq3A_46, %broadcast_in_dim3A_97, %while3A_38 : vector<16xi1>, vector<16xf32>
      scf.yield %select_n3A : vector<16xf32>
    }
    %while3A_30 = arith.constant 1 : i32
    %while3A_31 = scf.for %while3A_37 = %while3A_27 to %while3A_23 step %while3A_30 iter_args(%while3A_38 = %while3A_29) -> (vector<16xf32>)  : i32 {
      %broadcast_in_dim3A_39 = arith.constant 0.000000e+00 : f32
      %broadcast_in_dim3A_40 = vector.broadcast %broadcast_in_dim3A_39 : f32 to vector<16xf32>
      %scan3A = arith.constant 0 : i32
      %scan3A_41 = arith.constant 16 : i32
      %scan3A_42 = arith.addi %scan3A, %scan3A_41 : i32
      %scan3A_43 = arith.constant 1 : i32
      %scan3A_44:4 = scf.for %scan3A_98 = %scan3A to %scan3A_42 step %scan3A_43 iter_args(%scan3A_99 = %broadcast_in_dim3A_40, %scan3A_100 = %broadcast_in_dim3A_40, %scan3A_101 = %broadcast_in_dim3A_40, %scan3A_102 = %broadcast_in_dim3A_40) -> (vector<16xf32>, vector<16xf32>, vector<16xf32>, vector<16xf32>)  : i32 {
        %mul3A_103 = arith.constant 4 : i32
        %mul3A_104 = arith.muli %mul3A_103, %scan3A_98 : i32
        %add3A_105 = arith.constant 0 : i32
        %add3A_106 = arith.addi %mul3A_104, %add3A_105 : i32
        %mul3A_107 = arith.constant 16 : i32
        %mul3A_108 = arith.muli %add3A_106, %mul3A_107 : i32
        %get3A_109 = arith.index_cast %mul3A_108 : i32 to index
        %get3A_110 = tpu.vector_load %arg8[%get3A_109] {strides = array<i32>} : memref<1024xi32, #tpu.memory_space<vmem>>, vector<16xi32>,
        %get3A_111 = vector.shape_cast %get3A_110 : vector<16xi32> to vector<16xi32>
        %eq3A_112 = vector.broadcast %while3A_37 : i32 to vector<16xi32>
        %eq3A_113 = arith.cmpi eq, %get3A_111, %eq3A_112 : vector<16xi32>
        %get3A_114 = arith.index_cast %mul3A_108 : i32 to index
        %get3A_115 = tpu.vector_load %arg6[%get3A_114] {strides = array<i32>} : memref<1024xf32, #tpu.memory_space<vmem>>, vector<16xf32>,
        %get3A_116 = vector.shape_cast %get3A_115 : vector<16xf32> to vector<16xf32>
        %get3A_117 = arith.index_cast %mul3A_108 : i32 to index
        %get3A_118 = tpu.vector_load %arg7[%get3A_117] {strides = array<i32>} : memref<1024xf32, #tpu.memory_space<vmem>>, vector<16xf32>,
        %get3A_119 = vector.shape_cast %get3A_118 : vector<16xf32> to vector<16xf32>
        %mul3A_120 = arith.mulf %get3A_116, %get3A_119 : vector<16xf32>
        %jit3A = arith.constant 0.000000e+00 : f32
        %broadcast_in_dim3A_121 = vector.broadcast %jit3A : f32 to vector<16xf32>
        %select_n3A_122 = arith.select %eq3A_113, %mul3A_120, %broadcast_in_dim3A_121 : vector<16xi1>, vector<16xf32>
        %add3A_123 = arith.addf %scan3A_99, %select_n3A_122 : vector<16xf32>
        %mul3A_124 = arith.constant 4 : i32
        %mul3A_125 = arith.muli %mul3A_124, %scan3A_98 : i32
        %add3A_126 = arith.constant 1 : i32
        %add3A_127 = arith.addi %mul3A_125, %add3A_126 : i32
        %mul3A_128 = arith.constant 16 : i32
        %mul3A_129 = arith.muli %add3A_127, %mul3A_128 : i32
        %get3A_130 = arith.index_cast %mul3A_129 : i32 to index
        %get3A_131 = tpu.vector_load %arg8[%get3A_130] {strides = array<i32>} : memref<1024xi32, #tpu.memory_space<vmem>>, vector<16xi32>,
        %get3A_132 = vector.shape_cast %get3A_131 : vector<16xi32> to vector<16xi32>
        %eq3A_133 = vector.broadcast %while3A_37 : i32 to vector<16xi32>
        %eq3A_134 = arith.cmpi eq, %get3A_132, %eq3A_133 : vector<16xi32>
        %get3A_135 = arith.index_cast %mul3A_129 : i32 to index
        %get3A_136 = tpu.vector_load %arg6[%get3A_135] {strides = array<i32>} : memref<1024xf32, #tpu.memory_space<vmem>>, vector<16xf32>,
        %get3A_137 = vector.shape_cast %get3A_136 : vector<16xf32> to vector<16xf32>
        %get3A_138 = arith.index_cast %mul3A_129 : i32 to index
        %get3A_139 = tpu.vector_load %arg7[%get3A_138] {strides = array<i32>} : memref<1024xf32, #tpu.memory_space<vmem>>, vector<16xf32>,
        %get3A_140 = vector.shape_cast %get3A_139 : vector<16xf32> to vector<16xf32>
        %mul3A_141 = arith.mulf %get3A_137, %get3A_140 : vector<16xf32>
        %jit3A_142 = arith.constant 0.000000e+00 : f32
        %broadcast_in_dim3A_143 = vector.broadcast %jit3A_142 : f32 to vector<16xf32>
        %select_n3A_144 = arith.select %eq3A_134, %mul3A_141, %broadcast_in_dim3A_143 : vector<16xi1>, vector<16xf32>
        %add3A_145 = arith.addf %scan3A_100, %select_n3A_144 : vector<16xf32>
        %mul3A_146 = arith.constant 4 : i32
        %mul3A_147 = arith.muli %mul3A_146, %scan3A_98 : i32
        %add3A_148 = arith.constant 2 : i32
        %add3A_149 = arith.addi %mul3A_147, %add3A_148 : i32
        %mul3A_150 = arith.constant 16 : i32
        %mul3A_151 = arith.muli %add3A_149, %mul3A_150 : i32
        %get3A_152 = arith.index_cast %mul3A_151 : i32 to index
        %get3A_153 = tpu.vector_load %arg8[%get3A_152] {strides = array<i32>} : memref<1024xi32, #tpu.memory_space<vmem>>, vector<16xi32>,
        %get3A_154 = vector.shape_cast %get3A_153 : vector<16xi32> to vector<16xi32>
        %eq3A_155 = vector.broadcast %while3A_37 : i32 to vector<16xi32>
        %eq3A_156 = arith.cmpi eq, %get3A_154, %eq3A_155 : vector<16xi32>
        %get3A_157 = arith.index_cast %mul3A_151 : i32 to index
        %get3A_158 = tpu.vector_load %arg6[%get3A_157] {strides = array<i32>} : memref<1024xf32, #tpu.memory_space<vmem>>, vector<16xf32>,
        %get3A_159 = vector.shape_cast %get3A_158 : vector<16xf32> to vector<16xf32>
        %get3A_160 = arith.index_cast %mul3A_151 : i32 to index
        %get3A_161 = tpu.vector_load %arg7[%get3A_160] {strides = array<i32>} : memref<1024xf32, #tpu.memory_space<vmem>>, vector<16xf32>,
        %get3A_162 = vector.shape_cast %get3A_161 : vector<16xf32> to vector<16xf32>
        %mul3A_163 = arith.mulf %get3A_159, %get3A_162 : vector<16xf32>
        %jit3A_164 = arith.constant 0.000000e+00 : f32
        %broadcast_in_dim3A_165 = vector.broadcast %jit3A_164 : f32 to vector<16xf32>
        %select_n3A_166 = arith.select %eq3A_156, %mul3A_163, %broadcast_in_dim3A_165 : vector<16xi1>, vector<16xf32>
        %add3A_167 = arith.addf %scan3A_101, %select_n3A_166 : vector<16xf32>
        %mul3A_168 = arith.constant 4 : i32
        %mul3A_169 = arith.muli %mul3A_168, %scan3A_98 : i32
        %add3A_170 = arith.constant 3 : i32
        %add3A_171 = arith.addi %mul3A_169, %add3A_170 : i32
        %mul3A_172 = arith.constant 16 : i32
        %mul3A_173 = arith.muli %add3A_171, %mul3A_172 : i32
        %get3A_174 = arith.index_cast %mul3A_173 : i32 to index
        %get3A_175 = tpu.vector_load %arg8[%get3A_174] {strides = array<i32>} : memref<1024xi32, #tpu.memory_space<vmem>>, vector<16xi32>,
        %get3A_176 = vector.shape_cast %get3A_175 : vector<16xi32> to vector<16xi32>
        %eq3A_177 = vector.broadcast %while3A_37 : i32 to vector<16xi32>
        %eq3A_178 = arith.cmpi eq, %get3A_176, %eq3A_177 : vector<16xi32>
        %get3A_179 = arith.index_cast %mul3A_173 : i32 to index
        %get3A_180 = tpu.vector_load %arg6[%get3A_179] {strides = array<i32>} : memref<1024xf32, #tpu.memory_space<vmem>>, vector<16xf32>,
        %get3A_181 = vector.shape_cast %get3A_180 : vector<16xf32> to vector<16xf32>
        %get3A_182 = arith.index_cast %mul3A_173 : i32 to index
        %get3A_183 = tpu.vector_load %arg7[%get3A_182] {strides = array<i32>} : memref<1024xf32, #tpu.memory_space<vmem>>, vector<16xf32>,
        %get3A_184 = vector.shape_cast %get3A_183 : vector<16xf32> to vector<16xf32>
        %mul3A_185 = arith.mulf %get3A_181, %get3A_184 : vector<16xf32>
        %jit3A_186 = arith.constant 0.000000e+00 : f32
        %broadcast_in_dim3A_187 = vector.broadcast %jit3A_186 : f32 to vector<16xf32>
        %select_n3A_188 = arith.select %eq3A_178, %mul3A_185, %broadcast_in_dim3A_187 : vector<16xi1>, vector<16xf32>
        %add3A_189 = arith.addf %scan3A_102, %select_n3A_188 : vector<16xf32>
        scf.yield %add3A_123, %add3A_145, %add3A_167, %add3A_189 : vector<16xf32>, vector<16xf32>, vector<16xf32>, vector<16xf32>
      }
      %scan3A_45 = arith.constant 16 : i32
      %eq3A = vector.broadcast %while3A_37 : i32 to vector<16xi32>
      %eq3A_46 = arith.cmpi eq, %iota3A, %eq3A : vector<16xi32>
      %add3A_47 = arith.addf %scan3A_44#0, %scan3A_44#1 : vector<16xf32>
      %add3A_48 = arith.addf %scan3A_44#2, %scan3A_44#3 : vector<16xf32>
      %add3A_49 = arith.addf %add3A_47, %add3A_48 : vector<16xf32>
      %slice3A_50 = vector.extract_strided_slice %add3A_49 {offsets = [0], sizes = [1], strides = [1]} : vector<16xf32> to vector<1xf32>
      %squeeze3A_51 = vector.extract %slice3A_50[0] : f32 from vector<1xf32>
      %slice3A_52 = vector.extract_strided_slice %add3A_49 {offsets = [1], sizes = [1], strides = [1]} : vector<16xf32> to vector<1xf32>
      %squeeze3A_53 = vector.extract %slice3A_52[0] : f32 from vector<1xf32>
      %add3A_54 = arith.addf %squeeze3A_51, %squeeze3A_53 : f32
      %slice3A_55 = vector.extract_strided_slice %add3A_49 {offsets = [2], sizes = [1], strides = [1]} : vector<16xf32> to vector<1xf32>
      %squeeze3A_56 = vector.extract %slice3A_55[0] : f32 from vector<1xf32>
      %slice3A_57 = vector.extract_strided_slice %add3A_49 {offsets = [3], sizes = [1], strides = [1]} : vector<16xf32> to vector<1xf32>
      %squeeze3A_58 = vector.extract %slice3A_57[0] : f32 from vector<1xf32>
      %add3A_59 = arith.addf %squeeze3A_56, %squeeze3A_58 : f32
      %slice3A_60 = vector.extract_strided_slice %add3A_49 {offsets = [4], sizes = [1], strides = [1]} : vector<16xf32> to vector<1xf32>
      %squeeze3A_61 = vector.extract %slice3A_60[0] : f32 from vector<1xf32>
      %slice3A_62 = vector.extract_strided_slice %add3A_49 {offsets = [5], sizes = [1], strides = [1]} : vector<16xf32> to vector<1xf32>
      %squeeze3A_63 = vector.extract %slice3A_62[0] : f32 from vector<1xf32>
      %add3A_64 = arith.addf %squeeze3A_61, %squeeze3A_63 : f32
      %slice3A_65 = vector.extract_strided_slice %add3A_49 {offsets = [6], sizes = [1], strides = [1]} : vector<16xf32> to vector<1xf32>
      %squeeze3A_66 = vector.extract %slice3A_65[0] : f32 from vector<1xf32>
      %slice3A_67 = vector.extract_strided_slice %add3A_49 {offsets = [7], sizes = [1], strides = [1]} : vector<16xf32> to vector<1xf32>
      %squeeze3A_68 = vector.extract %slice3A_67[0] : f32 from vector<1xf32>
      %add3A_69 = arith.addf %squeeze3A_66, %squeeze3A_68 : f32
      %slice3A_70 = vector.extract_strided_slice %add3A_49 {offsets = [8], sizes = [1], strides = [1]} : vector<16xf32> to vector<1xf32>
      %squeeze3A_71 = vector.extract %slice3A_70[0] : f32 from vector<1xf32>
      %slice3A_72 = vector.extract_strided_slice %add3A_49 {offsets = [9], sizes = [1], strides = [1]} : vector<16xf32> to vector<1xf32>
      %squeeze3A_73 = vector.extract %slice3A_72[0] : f32 from vector<1xf32>
      %add3A_74 = arith.addf %squeeze3A_71, %squeeze3A_73 : f32
      %slice3A_75 = vector.extract_strided_slice %add3A_49 {offsets = [10], sizes = [1], strides = [1]} : vector<16xf32> to vector<1xf32>
      %squeeze3A_76 = vector.extract %slice3A_75[0] : f32 from vector<1xf32>
      %slice3A_77 = vector.extract_strided_slice %add3A_49 {offsets = [11], sizes = [1], strides = [1]} : vector<16xf32> to vector<1xf32>
      %squeeze3A_78 = vector.extract %slice3A_77[0] : f32 from vector<1xf32>
      %add3A_79 = arith.addf %squeeze3A_76, %squeeze3A_78 : f32
      %slice3A_80 = vector.extract_strided_slice %add3A_49 {offsets = [12], sizes = [1], strides = [1]} : vector<16xf32> to vector<1xf32>
      %squeeze3A_81 = vector.extract %slice3A_80[0] : f32 from vector<1xf32>
      %slice3A_82 = vector.extract_strided_slice %add3A_49 {offsets = [13], sizes = [1], strides = [1]} : vector<16xf32> to vector<1xf32>
      %squeeze3A_83 = vector.extract %slice3A_82[0] : f32 from vector<1xf32>
      %add3A_84 = arith.addf %squeeze3A_81, %squeeze3A_83 : f32
      %slice3A_85 = vector.extract_strided_slice %add3A_49 {offsets = [14], sizes = [1], strides = [1]} : vector<16xf32> to vector<1xf32>
      %squeeze3A_86 = vector.extract %slice3A_85[0] : f32 from vector<1xf32>
      %slice3A_87 = vector.extract_strided_slice %add3A_49 {offsets = [15], sizes = [1], strides = [1]} : vector<16xf32> to vector<1xf32>
      %squeeze3A_88 = vector.extract %slice3A_87[0] : f32 from vector<1xf32>
      %add3A_89 = arith.addf %squeeze3A_86, %squeeze3A_88 : f32
      %add3A_90 = arith.addf %add3A_54, %add3A_59 : f32
      %add3A_91 = arith.addf %add3A_64, %add3A_69 : f32
      %add3A_92 = arith.addf %add3A_74, %add3A_79 : f32
      %add3A_93 = arith.addf %add3A_84, %add3A_89 : f32
      %add3A_94 = arith.addf %add3A_90, %add3A_91 : f32
      %add3A_95 = arith.addf %add3A_92, %add3A_93 : f32
      %add3A_96 = arith.addf %add3A_94, %add3A_95 : f32
      %broadcast_in_dim3A_97 = vector.broadcast %add3A_96 : f32 to vector<16xf32>
      %select_n3A = arith.select %eq3A_46, %broadcast_in_dim3A_97, %while3A_38 : vector<16xi1>, vector<16xf32>
      scf.yield %select_n3A : vector<16xf32>
    }
    %swap3A = arith.constant 0 : index
    %swap3A_32 = tpu.vector_load %arg9[%swap3A] {strides = array<i32>} : memref<16xf32, #tpu.memory_space<vmem>>, vector<16xf32>,
    %swap3A_33 = vector.shape_cast %swap3A_32 : vector<16xf32> to vector<16xf32>
    %swap3A_34 = vector.shape_cast %while3A_31 : vector<16xf32> to vector<16xf32>
    tpu.vector_store %arg9[%swap3A], %swap3A_34 {strides = array<i32>} : memref<16xf32, #tpu.memory_space<vmem>>, vector<16xf32>,
    %mul3A_35 = arith.constant 16 : i32
    %mul3A_36 = arith.muli %add3A, %mul3A_35 : i32
    "tpu.region"() ({
      %run_scoped3A = tpu.sem_alloc : memref<!tpu.dma_semaphore, #tpu.memory_space<semaphore_mem>>
      %dma_start3A_37 = tpu.memref_slice %arg5[%mul3A_36] : memref<512xf32, #tpu.memory_space<hbm>> -> memref<16xf32, #tpu.memory_space<hbm>>
      %dma_start3A_38 = tpu.memref_slice %arg5[%mul3A_36] : memref<512xf32, #tpu.memory_space<hbm>> -> memref<16xf32, #tpu.memory_space<hbm>>
      tpu.enqueue_dma source(%arg9 : memref<16xf32, #tpu.memory_space<vmem>>) target(%dma_start3A_38 : memref<16xf32, #tpu.memory_space<hbm>>) target_semaphore(%run_scoped3A : memref<!tpu.dma_semaphore, #tpu.memory_space<semaphore_mem>>)
      %dma_wait3A_39 = tpu.memref_slice %arg5[%mul3A_36] : memref<512xf32, #tpu.memory_space<hbm>> -> memref<16xf32, #tpu.memory_space<hbm>>
      %dma_wait3A_40 = tpu.memref_slice %arg5[%mul3A_36] : memref<512xf32, #tpu.memory_space<hbm>> -> memref<16xf32, #tpu.memory_space<hbm>>
      tpu.wait_dma2 semaphore(%run_scoped3A : memref<!tpu.dma_semaphore, #tpu.memory_space<semaphore_mem>>) src(%arg9 : memref<16xf32, #tpu.memory_space<vmem>>) dst(%dma_wait3A_40 : memref<16xf32, #tpu.memory_space<hbm>>)
      tpu.yield
    }) : () -> ()
    return
  }
}

</mosaic_0001>

<sc_bundles>
// kernel: kernel.3.cloned.1.call-start
scs
__scs_entry_jumppad:
0x0: {  	(pc) =	sbr.rel $0x88, $3  }
0x1: {  	(tag) =	ssettag $0x0;
	lr =	simm.s32 $0x1  }
0x2: {  	[smem:$0x3F9E] =	sst lr;
	_ =	strace $0xD0000000  }
0x3: {  	_ = 	snop  }
0x4: {  	_ = 	snop  }
0x5: {  	_ = 	snop  }
0x6: {  	_ = 	snop  }
0x7: {  	_ = 	snop  }
__scs_overlays_trampoline_lowered:
0x8: {  	[smem:$0x3FAD] =	sst s0  }
0x9: {  	[smem:$0x3FAE] =	sst s1  }
0xa: {  	[smem:$0x3FAF] =	sst s2  }
0xb: {  	[smem:$0x3FB0] =	sst s3  }
0xc: {  	[smem:$0x3FB1] =	sst s4  }
0xd: {  	[smem:$0x3FB2] =	sst s5  }
0xe: {  	[smem:$0x3FB3] =	sst s6  }
0xf: {  	[smem:$0x3FB4] =	sst s7  }
0x10: {  	[smem:$0x3FB5] =	sst s8  }
0x11: {  	[smem:$0x3FB6] =	sst s9;
	s0 =	simm.s32 @!p0 $0x0  }
0x12: {  	s1 =	sld [smem:$0x3F9C];
	s0 =	simm.s32 @p0 $0x1  }
0x13: {  	[smem:$0x3FB7] =	sst s0;
	s0 =	simm.s32 @!p1 $0x0  }
0x14: {  	s2 =	sld [smem:$0x3F9B];
	s0 =	simm.s32 @p1 $0x1  }
0x15: {  	[smem:$0x3FB8] =	sst s0;
	s0 =	simm.s32 @!p2 $0x0  }
0x16: {  	s3 =	sld [smem:$0x3FDB];
	s0 =	simm.s32 @p2 $0x1  }
0x17: {  	s4 =	simm.s32 $0x1BF5;
	[smem:$0x3FBA] =	sst s0  }
0x18: {  	s0 =	sld [smem:$0x3F9D];
	_ =	swait.ge [sflag:s4], $0x0  }
0x19: {  	s7 =	sld [smem:$0x3F9E]  }
0x1a: {  	s8 =	sadd.s32 $0xFFFFE003, lr  }
0x1b: {  	s9 =	sadd.s32 $0xFFFFFEF7, lr;
	s5 =	simm.s32 $0xFFFFFFFF;
	p2 =	slt.u32 s8, $0xFFFFF086  }
0x1c: {  	p1 =	slt.u32 s9, $0xF7A;
	s5 =	simm.s32 @!p2 $0x0  }
0x1d: {  	s5 =	simm.s32 @p1 $0x1;
	p0 =	seq.s32 s7, s2  }
0x1e: {  	s7 =	smul.u32 @!p0 $0xF7A, s2;
	p2 =	seq.s32 @!p0 s5, $0x0  }
0x1f: {  	s9 =	smul.u32 $0xF7A, s1;
	s8 =	simm.s32 @!p0 $0x1BF5;
	p2 =	por !p2, p0  }
0x20: {  	[sflag:s8] =	ssyncset.s32 @!p0 $0xFFFFF086;
	s6 =	sadd.s32 @!p0 s3, s7;
	s7 =	simm.s32 @!p0 $0x108  }
0x21: {  	s3 =	sadd.s32 s3, s9;
	s6 =	sadd.s32 @!p0 $0x88, s6;
	s7 =	simm.s32 @p2 $0x1082  }
0x22: {  	[simem:s7], [sflag:s8] =	dma.local @!p0 [hbm:s6], $0xF7A  }
0x23: {  	s9 =	sor.u32 $0xD0000000, s2;
	s6 =	simm.s32 $0x108;
	_ =	swait.ge @!p0 [sflag:s8], $0x0  }
0x24: {  	s3 =	sadd.s32 $0x88, s3;
	s6 =	simm.s32 @!p1 $0x1082;
	[sflag:s4] =	ssyncset.s32 $0xFFFFF086  }
0x25: {  	[simem:s6], [sflag:s4] =	dma.local [hbm:s3], $0xF7A  }
0x26: {  	[smem:$0x3F9E] =	sst s1;
	(tag) =	ssettag s2;
	_ =	strace s9  }
0x27: {  	s1 =	sld [smem:$0x3FAE]  }
0x28: {  	s2 =	sld [smem:$0x3FAF]  }
0x29: {  	s4 =	sld [smem:$0x3FB1]  }
0x2a: {  	p0 =	seq.s32 s5, $0x0;
	s5 =	sld [smem:$0x3FB2]  }
0x2b: {  	s6 =	sld [smem:$0x3FB3]  }
0x2c: {  	s7 =	sld [smem:$0x3FB4]  }
0x2d: {  	s3 =	simm.s32 $0x108;
	s8 =	sld [smem:$0x3FB5]  }
0x2e: {  	s3 =	simm.s32 @!p0 $0x1082;
	s9 =	sld [smem:$0x3FB6]  }
0x2f: {  	lr =	sadd.s32 s0, s3;
	s0 =	sld [smem:$0x3FAD]  }
0x30: {  	s3 =	sld [smem:$0x3FB0]  }
0x31: {  	[smem:$0x3FB9] =	sst s10  }
0x32: {  	s10 =	sld [smem:$0x3FB7];
	_ =	sdelay $0x3  }
0x33: {  	p0 =	seq.s32 s10, $0x1;
	s10 =	sld [smem:$0x3FB9];
	_ =	sdelay $0x3  }
0x34: {  	[smem:$0x3FB9] =	sst s10  }
0x35: {  	s10 =	sld [smem:$0x3FB8];
	_ =	sdelay $0x3  }
0x36: {  	p1 =	seq.s32 s10, $0x1;
	s10 =	sld [smem:$0x3FB9];
	_ =	sdelay $0x3  }
0x37: {  	[smem:$0x3FB9] =	sst s10  }
0x38: {  	s10 =	sld [smem:$0x3FBA]  }
0x39: {  	_ = 	snop;
	(pc) =	sbr.ind lr, $3  }
0x3a: {  	_ = 	snop  }
0x3b: {  	_ = 	snop  }
0x3c: {  	p2 =	seq.s32 s10, $0x1;
	s10 =	sld [smem:$0x3FB9]  }
0x3d: {  	_ =	shalt  }
0x3e: {  	_ =	shalt  }
0x3f: {  	_ =	shalt  }
0x40: {  	_ =	shalt  }
0x41: {  	_ =	shalt  }
0x42: {  	_ =	shalt  }
0x43: {  	_ =	shalt  }
0x44: {  	_ =	shalt  }
0x45: {  	_ =	shalt  }
0x46: {  	_ =	shalt  }
0x47: {  	_ =	shalt  }
0x48: {  	_ =	shalt  }
0x49: {  	_ =	shalt  }
0x4a: {  	_ =	shalt  }
0x4b: {  	_ =	shalt  }
0x4c: {  	_ =	shalt  }
0x4d: {  	_ =	shalt  }
0x4e: {  	_ =	shalt  }
0x4f: {  	_ =	shalt  }
0x50: {  	_ =	shalt  }
0x51: {  	_ =	shalt  }
0x52: {  	_ =	shalt  }
0x53: {  	_ =	shalt  }
0x54: {  	_ =	shalt  }
0x55: {  	_ =	shalt  }
0x56: {  	_ =	shalt  }
0x57: {  	_ =	shalt  }
0x58: {  	_ =	shalt  }
0x59: {  	_ =	shalt  }
0x5a: {  	_ =	shalt  }
0x5b: {  	_ =	shalt  }
0x5c: {  	_ =	shalt  }
0x5d: {  	_ =	shalt  }
0x5e: {  	_ =	shalt  }
0x5f: {  	_ =	shalt  }
0x60: {  	_ =	shalt  }
0x61: {  	_ =	shalt  }
0x62: {  	_ =	shalt  }
0x63: {  	_ =	shalt  }
0x64: {  	_ =	shalt  }
0x65: {  	_ =	shalt  }
0x66: {  	_ =	shalt  }
0x67: {  	_ =	shalt  }
0x68: {  	_ =	shalt  }
0x69: {  	_ =	shalt  }
0x6a: {  	_ =	shalt  }
0x6b: {  	_ =	shalt  }
0x6c: {  	_ =	shalt  }
0x6d: {  	_ =	shalt  }
0x6e: {  	_ =	shalt  }
0x6f: {  	_ =	shalt  }
0x70: {  	_ =	shalt  }
0x71: {  	_ =	shalt  }
0x72: {  	_ =	shalt  }
0x73: {  	_ =	shalt  }
0x74: {  	_ =	shalt  }
0x75: {  	_ =	shalt  }
0x76: {  	_ =	shalt  }
0x77: {  	_ =	shalt  }
0x78: {  	_ =	shalt  }
0x79: {  	_ =	shalt  }
0x7a: {  	_ =	shalt  }
0x7b: {  	_ =	shalt  }
0x7c: {  	_ =	shalt  }
0x7d: {  	_ =	shalt  }
0x7e: {  	_ =	shalt  }
0x7f: {  	_ =	shalt  }
0x80: {  	_ =	shalt  }
0x81: {  	_ =	shalt  }
0x82: {  	_ =	shalt  }
0x83: {  	_ =	shalt  }
0x84: {  	_ =	shalt  }
0x85: {  	_ =	shalt  }
0x86: {  	_ =	shalt  }
0x87: {  	_ =	shalt  }
.Lfunc_end0:
.L_simem_size_0:
called_computation_lowered:
.L_overlay_start_0:
0x88: {  	s2 =	sld [smem:$0x3FD9]  }
0x89: {  	s3 =	sld [smem:$0x3FFE];
	_ =	sdelay $0x1  }
0x8a: {  	s1 =	srdreg.scid  }
0x8b: {  	s0 =	sand.u32 $0x1, s1  }
0x8c: {  	s17 =	sshll.u32 s0, $0xA;
	s2 =	sadd.s32 s3, s2  }
0x8d: {  	s2 =	sadd.s32 s2, s17  }
0x8e: {  	[smem:$0x3FC5] =	sst s2  }
0x8f: {  	_ = 	snop  }
0x90: {  	s2 =	sld [smem:$0x3FC9]  }
0x91: {  	s18 =	sld [smem:$0x3FC8]  }
0x92: {  	s4 =	sld [smem:$0x3FC7];
	(tm) =	ssettm $0x1  }
0x93: {  	s5 =	sld [smem:$0x3FFB];
	_ =	sdelay $0x3  }
0x94: {  	_ =	strace s5  }
0x95: {  	s5 =	sld [smem:$0x3FFC];
	_ =	sdelay $0x3  }
0x96: {  	_ =	strace s5  }
0x97: {  	s5 =	sld [smem:$0x3FFD];
	_ =	sdelay $0x3  }
0x98: {  	_ =	strace s5  }
0x99: {  	_ =	strace $0x8FFFFFFF  }
0x9a: {  	s19 =	sld [smem:$0x3FDB];
	_ =	sdelay $0x1  }
0x9b: {  	s6 =	simm.s32 $_scs_section_size  }
0x9c: {  	s7 =	simm.s32 $_size__tile_overlayer_lowered;
	s8 =	simm.s32 $_tile_overlayer_lowered  }
0x9d: {  	s22 =	simm.s32 $0x1BFF;
	s21 =	sshll.u32 s8, $0x1;
	s5 =	sadd.s32 s6, s19  }
0x9e: {  	s9 =	simm.s32 $0x0;
	s20 =	sshll.u32 s7, $0x1;
	s7 =	sadd.s32 s21, s5  }
0x9f: {  	[timem:s9], [sflag:s22] =	dma.local [hbm:s7], s20  }
0xa0: {  	_ =	swait.ge [sflag:s22], s20  }
0xa1: {  	s6 =	ssub.s32 $0x0, s20;
	[sflag:s22] =	ssyncset.done $0x0  }
0xa2: {  	[sflag:s22] =	ssyncadd.s32 s6;
	_ =	sdelay $0x1  }
0xa3: {  	s23 =	simm.s32 $0x1B8B  }
0xa4: {  	_ =	swait.ge [sflag:s23], $0x1  }
0xa5: {  	[sflag:s23] =	ssyncset.done $0x0  }
0xa6: {  	s25 =	simm.s32 $0x1B8E;
	s24 =	sld [smem:$0x3FFE];
	[sflag:s23] =	ssyncadd.s32 $0xFFFFFFFF  }
0xa7: {  	s26 =	simm.s32 $execute0_lowered;
	[smem:$0x3FD2] =	sst s25  }
0xa8: {  	s7 =	sshll.u32 s26, $0x1;
	_ =	strace $0x80000046;
	[dreg:$0x1] =	wrdreg $0xFFFFFFFF  }
0xa9: {  	s28 =	simm.s32 $_size_execute0_lowered;
	s5 =	sadd.s32 s5, s7;
	[dreg:$0x0] =	wrdreg $0x0  }
0xaa: {  	s7 =	sshll.u32 s28, $0x1;
	[dreg:$0x2] =	wrdreg s5  }
0xab: {  	[dreg:$0x3] =	wrdreg s7  }
0xac: {  	[dreg:$0x4] =	wrdreg $0xC0  }
0xad: {  	_ =	task [dreg:s9], $0x5FFFF  }
0xae: {  	[dreg:$0x1] =	wrdreg $0xFFFFFFFF  }
0xaf: {  	[dreg:$0x0] =	wrdreg $0x60  }
0xb0: {  	[dreg:$0x2] =	wrdreg s2  }
0xb1: {  	[dreg:$0x3] =	wrdreg s18  }
0xb2: {  	[dreg:$0x4] =	wrdreg s4  }
0xb3: {  	[dreg:$0x5] =	wrdreg s24  }
0xb4: {  	[dreg:$0x6] =	wrdreg $0x9  }
0xb5: {  	_ =	task.clear_ibuf [dreg:s9], $0x7FFFF;
	_ =	strace $0x90000046  }
0xb6: {  	s29 =	simm.s32 $0x9;
	_ =	strace $0x80000048  }
0xb7: {  	_ =	swait.ge [sflag:s29], $0x1  }
0xb8: {  	[sflag:s29] =	ssyncadd.s32 $0xFFFFFFFF  }
0xb9: {  	_ =	strace $0x90000048  }
0xba: {  	_ =	sfence  }
0xbb: {  	s30 =	sld [smem:$0x0];
	_ =	sdelay $0x2  }
0xbc: {  	s31 =	sshll.u32 s1, $0xD;
	s1 =	sshrl.u32 s1, $0x2  }
0xbd: {  	s3 =	sand.u32 $0x4000, s31;
	s1 =	sadd.s32 s1, s30  }
0xbe: {  	s0 =	sor.u32 s3, s0;
	s1 =	sshll.u32 s1, $0x11  }
0xbf: {  	s0 =	sor.u32 s1, s0  }
0xc0: {  	s0 =	sadd.s32 $0x8F2B, s0  }
0xc1: {  	[sflag:s0] =	ssyncadd.remote.s32 $0x1  }
0xc2: {  	_ =	sfence.sel $0xFFFF  }
0xc3: {  	[dreg:$0x0] =	wrdreg $0xFFFFFFFF;
	(pc) =	sbr.abs _section_cstart, $3  }
0xc4: {  	[dreg:$0x1] =	wrdreg $0xFFFFFFFF  }
0xc5: {  	_ =	task.clear_ibuf [dreg:s9], $0x2FFFF;
	_ =	strace $0x9FFFFFFF  }
0xc6: {  	(tm) =	ssettm $0x7FFFFFFF  }
0xc7: {  	_ =	shalt  }
tec
execute0_lowered:
.L_overlay_start_1:
0x0: {  	(tag) =	ssettag $0x1  }
0x1: {  	s3 =	rddreg [dreg:$0x0]  }
0x2: {  	s4 =	rddreg [dreg:$0x1]  }
0x3: {  	s5 =	rddreg [dreg:$0x2]  }
0x4: {  	s6 =	rddreg [dreg:$0x3]  }
0x5: {  	s2 =	srdreg.scid;
	s0 =	rddreg [dreg:$0x4]  }
0x6: {  	s1 =	stileid.u32;
	s11 =	simm.s32 $0xC00;
	s12 =	simm.s32 $0x2  }
0x7: {  	s13 =	simm.s32 $0x0;
	s7 =	sand.u32 $0x1, s2;
	s2 =	simm.s32 $0x0  }
0x8: {  	s9 =	sshll.u32 s1, $0x1;
	s8 =	ssub.s32 $0x2, s7;
	[smem:$0x7FF] =	sst s2  }
.Ltmp0:
0x9: {  	s7 =	sor.u32 s7, s9;
	s10 =	sshrl.u32 s8, $0x1;
	(pc) =	sbr.rel .LBB2_1-.Ltmp0, $4  }
0xa: {  	_ =	strace $0x80000047;
	s9 =	sshll.u32 s7, $0x7;
	s7 =	sshll.u32 s7, $0x1  }
0xb: {  	s8 =	ssub.s32 s8, s10;
	s3 =	sadd.s32 s3, s9;
	s4 =	sadd.s32 s4, s9  }
0xc: {  	s5 =	sadd.s32 s5, s9;
	s6 =	sadd.s32 s6, s7;
	s9 =	simm.s32 $0x800  }
0xd: {  	v0 =	vlaneseq.u32;
	s10 =	simm.s32 $0x1;
	s7 =	smax.u32 s8, $0x1;
	s8 =	simm.s32 $0x400  }
.LBB2_2:
0xe: {  	v1 =	vimm.f32 $0.0e+00  }
.LBB2_6:
0xf: {  	s13 =	sadd.s32 $0x1, s13  }
0x10: {  	p0 =	sne.s32 s13, s7  }
.Ltmp1:
0x11: {  	[tilespmem:$0xC00] =	vst v1;
	(pc) =	sbr.rel @!p0 .LBB2_7-.Ltmp1, $4  }
0x12: {  	[hbm4b:s6+s2] =	stream.linear.scatter [tilespmem:s11], [sflag:$0x2], $0x10, $0x38;
	[tilespmem:$0xC80] =	vst v63  }
0x13: {  	_ =	swait.ge [sflag:s12], $0x10  }
0x14: {  	[sflag:s12] =	ssyncset.done $0x0  }
0x15: {  	[sflag:s12] =	ssyncadd.s32 $0xFFFFFFF0  }
.LBB2_1:
0x16: {  	[tilespmem:s2], [sflag:$0x1] =	stream.linear.gather [hbm4b:s3+s2], $0x400, $0x38;
	[tilespmem:$0xC80] =	vst v63  }
0x17: {  	_ = 	snop  }
0x18: {  	[tilespmem:s8], [sflag:$0x1] =	stream.linear.gather [hbm4b:s4+s2], $0x400, $0x38;
	[tilespmem:$0xC80] =	vst v63  }
0x19: {  	_ = 	snop  }
0x1a: {  	[tilespmem:s9], [sflag:$0x1] =	stream.linear.gather [hbm4b:s5+s2], $0x400, $0x38;
	[tilespmem:$0xC80] =	vst v63  }
0x1b: {  	_ =	swait.ge [sflag:s10], $0x400  }
0x1c: {  	[sflag:s10] =	ssyncset.done $0x0  }
0x1d: {  	[sflag:s10] =	ssyncadd.s32 $0xFFFFFC00  }
0x1e: {  	_ =	swait.ge [sflag:s10], $0x400  }
0x1f: {  	[sflag:s10] =	ssyncset.done $0x0  }
0x20: {  	[sflag:s10] =	ssyncadd.s32 $0xFFFFFC00  }
0x21: {  	_ =	swait.ge [sflag:s10], $0x400  }
0x22: {  	[sflag:s10] =	ssyncset.done $0x0  }
0x23: {  	[sflag:s10] =	ssyncadd.s32 $0xFFFFFC00  }
0x24: {  	v1 =	vld [tilespmem:$0x800]  }
0x25: {  	v2 =	vld [tilespmem:$0xBF0];
	_ =	sdelay $0x3  }
0x26: {  	(v2sf) =	vpush v1, $0x0  }
0x27: {  	(v2sf) =	vpush v2, $0xF;
	_ =	sdelay $0xd  }
0x28: {  	s15 =	spop (v2sf)  }
0x29: {  	s14 =	spop (v2sf)  }
0x2a: {  	s16 =	sadd.s32 $0x1, s14  }
0x2b: {  	p0 =	sge.s32 s15, s16  }
.Ltmp2:
0x2c: {  	_ = 	snop;
	(pc) =	sbr.rel @p0 .LBB2_2-.Ltmp2, $2  }
0x2d: {  	_ =	sdelay $0x2  }
0x2e: {  	v1 =	vimm.f32 $0.0e+00;
	v2 =	vimm.f32 $0.0e+00  }
.LBB2_3:
0x2f: {  	s17 =	simm.s32 $0x0  }
0x30: {  	v4 =	vld [tilespmem:s17+$0x30]  }
0x31: {  	v5 =	vld [tilespmem:s17+$0x430]  }
0x32: {  	v6 =	vld [tilespmem:s17+$0x830]  }
0x33: {  	v7 =	vld [tilespmem:s17+$0x0]  }
0x34: {  	v9 =	vld [tilespmem:s17+$0x400]  }
0x35: {  	v11 =	vld [tilespmem:s17+$0x10]  }
0x36: {  	v12 =	vld [tilespmem:s17+$0x410]  }
0x37: {  	v8 =	vld [tilespmem:s17+$0x20]  }
0x38: {  	v10 =	vld [tilespmem:s17+$0x420]  }
0x39: {  	v3 =	vmov s15;
	v15 =	vld [tilespmem:s17+$0x800];
	v4 =	vmul.f32 v5, v4  }
0x3a: {  	v14 =	vld [tilespmem:s17+$0x810];
	vm0 =	veq.s32 v6, v3;
	v13 =	vmul.f32 v9, v7  }
0x3b: {  	s16 =	simm.s32 $0x40;
	v12 =	vmul.f32 v12, v11;
	v11 =	vld [tilespmem:s17+$0x820];
	v7 =	vimm.f32 $0.0e+00;
	v4 =	vnsel vm0, $0x0, v4  }
0x3c: {  	v9 =	vld [tilespmem:s16+$0x30];
	s17 =	simm.s32 $0x200;
	v6 =	vimm.f32 $0.0e+00;
	v5 =	vimm.f32 $0.0e+00;
	v4 =	vadd.f32 v4, v2  }
.LBB2_4:
0x3d: {  	p0 =	sne.s32 s17, $0xF00;
	v16 =	vld [tilespmem:s16+$0x430];
	v8 =	vmul.f32 v10, v8  }
0x3e: {  	v10 =	vld [tilespmem:s16+$0x830];
	vm0 =	veq.s32 v15, v3  }
0x3f: {  	v17 =	vld [tilespmem:s16+$0x0];
	v13 =	vnsel vm0, $0x0, v13;
	vm0 =	veq.s32 v14, v3  }
0x40: {  	v14 =	vld [tilespmem:s16+$0x400];
	v7 =	vadd.f32 v13, v7;
	v12 =	vnsel vm0, $0x0, v12;
	vm0 =	veq.s32 v11, v3  }
0x41: {  	v11 =	vld [tilespmem:s16+$0x10];
	v6 =	vadd.f32 v12, v6;
	v8 =	vnsel vm0, $0x0, v8  }
0x42: {  	v12 =	vld [tilespmem:s16+$0x410];
	v9 =	vmul.f32 v16, v9;
	v5 =	vadd.f32 v8, v5  }
0x43: {  	v8 =	vld [tilespmem:s16+$0x20];
	vm0 =	veq.s32 v10, v3  }
.Ltmp3:
0x44: {  	v10 =	vld [tilespmem:s16+$0x420];
	v9 =	vnsel vm0, $0x0, v9;
	(pc) =	sbr.rel @p0 .LBB2_4-.Ltmp3, $4  }
0x45: {  	v15 =	vld [tilespmem:s16+$0x800];
	v13 =	vmul.f32 v14, v17;
	v4 =	vadd.f32 v9, v4  }
0x46: {  	v14 =	vld [tilespmem:s16+$0x810]  }
0x47: {  	v12 =	vmul.f32 v12, v11;
	v11 =	vld [tilespmem:s16+$0x820];
	s16 =	sshra.s32 s17, $0x2  }
0x48: {  	s17 =	sadd.s32 $0x100, s17;
	v9 =	vld [tilespmem:s16+$0x30]  }
0x49: {  	v16 =	vld [tilespmem:s16+$0x430]  }
0x4a: {  	v17 =	vld [tilespmem:s16+$0x830]  }
0x4b: {  	v18 =	vld [tilespmem:s16+$0x0]  }
0x4c: {  	v19 =	vld [tilespmem:s16+$0x400]  }
0x4d: {  	v20 =	vld [tilespmem:s16+$0x10]  }
0x4e: {  	v21 =	vld [tilespmem:s16+$0x410]  }
0x4f: {  	v22 =	vld [tilespmem:s16+$0x20]  }
0x50: {  	v23 =	vld [tilespmem:s16+$0x420]  }
0x51: {  	v55 =	vld [tilespmem:s16+$0x800]  }
0x52: {  	v56 =	vld [tilespmem:s16+$0x810]  }
0x53: {  	v8 =	vmul.f32 v10, v8;
	v58 =	vld [tilespmem:s16+$0x820];
	vm0 =	veq.s32 v15, v3;
	vm9 =	veq.s32 v14, v3  }
0x54: {  	v13 =	vnsel vm0, $0x0, v13;
	v57 =	vnsel vm9, $0x0, v12;
	vm10 =	veq.s32 v11, v3  }
0x55: {  	v7 =	vadd.f32 v13, v7;
	v6 =	vadd.f32 v57, v6;
	v8 =	vnsel vm10, $0x0, v8  }
0x56: {  	v9 =	vmul.f32 v16, v9;
	vm11 =	veq.s32 v17, v3;
	v59 =	vmul.f32 v19, v18  }
0x57: {  	v60 =	vmul.f32 v21, v20;
	vm12 =	veq.s32 v55, v3;
	v61 =	vmul.f32 v23, v22  }
0x58: {  	vm13 =	veq.s32 v56, v3;
	v5 =	vadd.f32 v8, v5;
	vm14 =	veq.s32 v58, v3  }
0x59: {  	v9 =	vnsel vm11, $0x0, v9;
	v10 =	vnsel vm12, $0x0, v59;
	v62 =	vnsel vm13, $0x0, v60  }
0x5a: {  	v63 =	vnsel vm14, $0x0, v61;
	v4 =	vadd.f32 v9, v4;
	v7 =	vadd.f32 v10, v7  }
0x5b: {  	v6 =	vadd.f32 v62, v6;
	v5 =	vadd.f32 v63, v5;
	_ =	sdelay $0x1  }
0x5c: {  	v6 =	vadd.f32 v6, v7;
	v4 =	vadd.f32 v4, v5;
	_ =	sdelay $0x1  }
0x5d: {  	v4 =	vadd.f32 v4, v6;
	_ =	sdelay $0x1  }
0x5e: {  	(v2sf) =	vpush v4, $0x0  }
0x5f: {  	(v2sf) =	vpush v4, $0x1  }
0x60: {  	(v2sf) =	vpush v4, $0x2  }
0x61: {  	(v2sf) =	vpush v4, $0x3  }
0x62: {  	(v2sf) =	vpush v4, $0x4  }
0x63: {  	(v2sf) =	vpush v4, $0x5  }
0x64: {  	(v2sf) =	vpush v4, $0x6  }
0x65: {  	(v2sf) =	vpush v4, $0x7  }
0x66: {  	(v2sf) =	vpush v4, $0x8  }
0x67: {  	(v2sf) =	vpush v4, $0x9  }
0x68: {  	(v2sf) =	vpush v4, $0xA  }
0x69: {  	(v2sf) =	vpush v4, $0xB  }
0x6a: {  	(v2sf) =	vpush v4, $0xC  }
0x6b: {  	(v2sf) =	vpush v4, $0xD  }
0x6c: {  	(v2sf) =	vpush v4, $0xE  }
0x6d: {  	s26 =	spop (v2sf);
	(v2sf) =	vpush v4, $0xF  }
0x6e: {  	s17 =	spop (v2sf)  }
0x6f: {  	s18 =	spop (v2sf)  }
0x70: {  	s19 =	spop (v2sf)  }
0x71: {  	s20 =	spop (v2sf)  }
0x72: {  	s21 =	spop (v2sf)  }
0x73: {  	s22 =	spop (v2sf)  }
0x74: {  	s16 =	sadd.f32 s17, s26;
	s23 =	spop (v2sf)  }
0x75: {  	s18 =	sadd.f32 s19, s18;
	s24 =	spop (v2sf)  }
0x76: {  	s20 =	sadd.f32 s21, s20;
	s28 =	spop (v2sf)  }
0x77: {  	s16 =	sadd.f32 s18, s16;
	s29 =	spop (v2sf)  }
0x78: {  	s22 =	sadd.f32 s23, s22;
	s30 =	spop (v2sf)  }
0x79: {  	s17 =	sadd.f32 s28, s24;
	s31 =	spop (v2sf)  }
0x7a: {  	s19 =	sadd.f32 s30, s29;
	s25 =	spop (v2sf)  }
0x7b: {  	s29 =	sadd.f32 s22, s20;
	s26 =	spop (v2sf)  }
0x7c: {  	s23 =	sadd.f32 s25, s31;
	s28 =	spop (v2sf)  }
0x7d: {  	s21 =	sadd.f32 s28, s26  }
0x7e: {  	s17 =	sadd.f32 s19, s17  }
0x7f: {  	s30 =	sadd.f32 s21, s23  }
0x80: {  	p0 =	sne.s32 s15, s14;
	s16 =	sadd.f32 s29, s16  }
.Ltmp4:
0x81: {  	s17 =	sadd.f32 s30, s17;
	(pc) =	sbr.rel @p0 .LBB2_3-.Ltmp4, $4  }
.Ltmp5:
0x82: {  	_ = 	snop;
	(pc) =	sbr.rel @!p0 .LBB2_6-.Ltmp5, $4  }
0x83: {  	s16 =	sadd.f32 s17, s16  }
0x84: {  	vm15 =	veq.s32 v3, v0;
	s31 =	sadd.s32 $0x1, s15  }
0x85: {  	s15 =	smov.u32 s31;
	v1 =	vsel vm15, s16, v1  }
0x86: {  	_ = 	snop  }
.LBB2_7:
0x87: {  	_ =	sfence.sel $0x180000  }
0x88: {  	[bflag:$0x0] =	sbarrier.arrive $0xFFFF  }
0x89: {  	p0 =	sne.s32 s1, $0x0;
	_ =	strace $0x90000047  }
0x8a: {  	s0 =	sadd.s32 @!p0 $0x100000, s0;
	[bflag:$0x2] =	sbarrier.arrive $0xFFFF  }
0x8b: {  	[sflag:s0] =	ssyncadd.tile.s32 @!p0 $0x1;
	_ =	shalt  }
.Lfunc_end2:
_tile_overlayer_lowered:
.L_overlay_start_2:
0x8c: {  	(tag) =	ssettag $0x2  }
0x8d: {  	s0 =	rddreg [dreg:$0x0];
	s2 =	stileid.u32  }
0x8e: {  	s1 =	rddreg [dreg:$0x1];
	p0 =	sne.s32 s2, $0x0  }
0x8f: {  	s3 =	rddreg [dreg:$0x2];
	[bflag:$0x3] =	sbarrier.arrive $0xFFFF;
	s2 =	simm.s32 @!p0 $0x1C02  }
0x90: {  	[timem:s3], [sflag:s2] =	dma.local @!p0 [hbm:s0], s1  }
0x91: {  	s0 =	simm.s32 @!p0 $0x2  }
0x92: {  	_ =	swait.ge @!p0 [sflag:s0], s1  }
0x93: {  	s1 =	ssub.s32 @!p0 $0x0, s1;
	[sflag:s0] =	ssyncset.done @!p0 $0x0  }
0x94: {  	[sflag:s0] =	ssyncadd.s32 @!p0 s1  }
0x95: {  	[bflag:$0x3] =	sbarrier.arrive $0xFFFF  }
0x96: {  	_ =	shalt  }

</sc_bundles>
